<compile_context>
chip_gen: v7x
topology: tpu7x:2x2x1
jax: 0.10.2.dev20260603
libtpu: 0.0.44.dev20260713+nightly
codegen_flags: <defaults>
</compile_context>

<pallas_src>
import functools

import jax
import jax.numpy as jnp
from jax import lax
from jax.experimental import pallas as pl
from jax.experimental.pallas import tpu as pltpu
from jax.experimental.pallas import tpu_sc as plsc

_NC = 2
_NS = 16
_NW = _NC * _NS
_LANES = 16

_B = 16384
_L = 200
_V1 = 1000001
_V_PAD = 1 << 20
_CHUNK = 16
_ROWS_PER_W = _B // _NW
_NCHUNKS = _ROWS_PER_W // _CHUNK
_PAIRS = _NCHUNKS // 2
_IDX_N = _CHUNK * _L

_TROWS = _V_PAD // _NS
_S = 4096
_NSUB = _TROWS // _S

_W_ADJ = 0.4
_INV_R_ADJ = 0.1

_mesh = plsc.VectorSubcoreMesh(
    core_axis_name="c", subcore_axis_name="s", num_cores=_NC, num_subcores=_NS
)


@functools.partial(
    pl.kernel,
    out_type=jax.ShapeDtypeStruct((_B * 2,), jnp.float32),
    mesh=_mesh,
    scratch_types=[
        pltpu.HBM((_NC, _V_PAD, 4), jnp.float32),
        pltpu.VMEM((_S,), jnp.float32),
        pltpu.VMEM((_S,), jnp.float32),
        pltpu.VMEM((_S,), jnp.float32),
        pltpu.VMEM((_S, 4), jnp.float32),
        pltpu.VMEM((_IDX_N,), jnp.int32),
        pltpu.VMEM((_IDX_N,), jnp.int32),
        pltpu.VMEM((_IDX_N, 4), jnp.float32),
        pltpu.VMEM((_IDX_N, 4), jnp.float32),
        pltpu.VMEM((_ROWS_PER_W * 2,), jnp.float32),
        pltpu.SemaphoreType.DMA,
        pltpu.SemaphoreType.DMA,
        pltpu.SemaphoreType.DMA,
        pltpu.SemaphoreType.DMA,
    ],
    compiler_params=pltpu.CompilerParams(needs_layout_passes=False,
                                         use_tc_tiling_on_sc=False),
)
def _dotprod_nb_sc(idx_hbm, w_hbm, r0_hbm, r1_hbm, out_hbm,
                   fused, wbuf, r0buf, r1buf, fbuf,
                   idx0, idx1, rows0, rows1, res_v,
                   sem_i0, sem_i1, sem_r0, sem_r1):
    cid = lax.axis_index("c")
    sid = lax.axis_index("s")
    wid = sid * _NC + cid
    row_base = wid * _ROWS_PER_W

    idx_bufs = (idx0, idx1)
    rows_bufs = (rows0, rows1)
    sem_idx = (sem_i0, sem_i1)
    sem_rows = (sem_r0, sem_r1)

    lane = lax.iota(jnp.int32, _LANES)
    lane_l = lane * _L
    col0 = jnp.zeros((_LANES,), jnp.int32)
    col1 = jnp.ones((_LANES,), jnp.int32)
    col2 = jnp.full((_LANES,), 2, jnp.int32)
    zero_acc = jnp.zeros((_LANES,), jnp.float32)

    tile_row0 = sid * _TROWS

    @pl.loop(0, _NSUB)
    def _fmt(s):
        base = tile_row0 + s * _S
        pltpu.sync_copy(w_hbm.at[pl.ds(base, _S)], wbuf)
        pltpu.sync_copy(r0_hbm.at[pl.ds(base, _S)], r0buf)
        pltpu.sync_copy(r1_hbm.at[pl.ds(base, _S)], r1buf)

        def gbody(g, carry):
            rid = g * _LANES + lane
            off = pl.ds(g * _LANES, _LANES)
            plsc.store_scatter(fbuf, [rid, col0], wbuf[off])
            plsc.store_scatter(fbuf, [rid, col1], r0buf[off])
            plsc.store_scatter(fbuf, [rid, col2], r1buf[off])
            return carry

        lax.fori_loop(0, _S // _LANES, gbody, 0)
        pltpu.sync_copy(fbuf, fused.at[cid, pl.ds(base, _S), :])

    plsc.subcore_barrier()

    tab = fused.at[cid]

    def idx_src(g):
        start = (row_base + g * _CHUNK) * _L
        return idx_hbm.at[pl.ds(start, _IDX_N)]

    def start_idx(g, b):
        pltpu.async_copy(idx_src(g), idx_bufs[b], sem_idx[b])

    def wait_idx(g, b):
        pltpu.make_async_copy(idx_src(g), idx_bufs[b], sem_idx[b]).wait()

    def start_gather(b):
        pltpu.async_copy(tab.at[idx_bufs[b]], rows_bufs[b], sem_rows[b])

    def wait_gather(b):
        pltpu.make_async_copy(tab.at[idx_bufs[b]], rows_bufs[b],
                              sem_rows[b]).wait()

    def process(g, b):
        rows = rows_bufs[b]

        def lbody(l, carry):
            a0, a1 = carry
            rid = lane_l + l
            wv = plsc.load_gather(rows, [rid, col0])
            r0 = plsc.load_gather(rows, [rid, col1])
            r1 = plsc.load_gather(rows, [rid, col2])
            wv = wv + _W_ADJ
            return (a0 + wv * r0, a1 + wv * r1)

        a0, a1 = lax.fori_loop(0, _L, lbody, (zero_acc, zero_acc))
        oid = (g * _CHUNK + lane) * 2
        plsc.store_scatter(res_v, [oid], a0 * _INV_R_ADJ)
        plsc.store_scatter(res_v, [oid + 1], a1 * _INV_R_ADJ)

    start_idx(0, 0)
    wait_idx(0, 0)
    start_gather(0)
    start_idx(1, 1)

    @pl.loop(0, _PAIRS)
    def _pair(p):
        g0 = 2 * p
        wait_gather(0)
        wait_idx(g0 + 1, 1)
        start_gather(1)

        @pl.when(p < _PAIRS - 1)
        def _():
            start_idx(g0 + 2, 0)

        process(g0, 0)
        wait_gather(1)

        @pl.when(p < _PAIRS - 1)
        def _():
            wait_idx(g0 + 2, 0)
            start_gather(0)
            start_idx(g0 + 3, 1)

        process(g0 + 1, 1)

    pltpu.sync_copy(res_v, out_hbm.at[pl.ds(row_base * 2, _ROWS_PER_W * 2)])


def kernel(feat_idx, w_weight, r_weight):
    pad = (0, _V_PAD - _V1)
    w_flat = jnp.pad(w_weight.reshape(-1), pad)
    r0 = jnp.pad(r_weight[:, 0], pad)
    r1 = jnp.pad(r_weight[:, 1], pad)
    idx_flat = feat_idx.reshape(-1)
    return _dotprod_nb_sc(idx_flat, w_flat, r0, r1).reshape(_B, 2)

# --- scband reference (transcript-rebuilt; emitter-appended) ---
"""Pipeline reference for scband-dot-prod-nb-30245159698810 (READ-ONLY COPY).

The authoritative reference and input builder live on the scoring server;
editing this copy changes nothing except your own understanding.
"""

import jax, jax.numpy as jnp
import numpy as np

VOCAB = 1000000
N_CLASSES = 2
W_ADJ = 0.4
R_ADJ = 10.0
BATCH = 16384
SEQ = 200


def setup_inputs(seed: int = 0) -> dict:
    key = jax.random.key(seed)
    k1, k2, k3 = jax.random.split(key, 3)
    # feat_idx: int indices into (vocab_size + 1)-row tables; 0 is padding
    feat_idx = jax.random.randint(k1, (BATCH, SEQ), 0, VOCAB + 1, dtype=jnp.int32)
    # w: Embedding(vocab_size+1, 1), uniform(-0.1, 0.1), row 0 zeroed (padding_idx=0)
    w_weight = jax.random.uniform(k2, (VOCAB + 1, 1), minval=-0.1, maxval=0.1, dtype=jnp.float32)
    w_weight = w_weight.at[0].set(0.0)
    # r: Embedding(vocab_size+1, n_classes); row 0 zeros, rest are the NB log-count ratios r
    r_body = jax.random.normal(k3, (VOCAB, N_CLASSES), dtype=jnp.float32) * 0.5
    r_weight = jnp.concatenate([jnp.zeros((1, N_CLASSES), dtype=jnp.float32), r_body], axis=0)
    return {"feat_idx": feat_idx, "w_weight": w_weight, "r_weight": r_weight}


def reference(feat_idx, w_weight, r_weight):
    # w = self.w(feat_idx) + self.w_adj  -> [B, L, 1]
    w = jnp.take(w_weight, feat_idx, axis=0) + W_ADJ
    # r = self.r(feat_idx)               -> [B, L, n_classes]
    r = jnp.take(r_weight, feat_idx, axis=0)
    # x = (w * r).sum(dim=1) / r_adj     -> [B, n_classes]
    x = jnp.sum(w * r, axis=1) / R_ADJ
    return x

if __name__ == "__main__":
    import jax
    _d = setup_inputs()
    print(jax.jit(kernel)(*tuple(_d.values())))

</pallas_src>

<mosaic_0001>
#map = affine_map<(d0, d1) -> (0)>
module attributes {stable_mosaic.version = 14 : i64} {
  func.func @_dotprod_nb_sc(%arg0: i32, %arg1: i32, %arg2: memref<3276800xi32, #tpu.memory_space<hbm>>, %arg3: memref<1048576xf32, #tpu.memory_space<hbm>>, %arg4: memref<1048576xf32, #tpu.memory_space<hbm>>, %arg5: memref<1048576xf32, #tpu.memory_space<hbm>>, %arg6: memref<32768xf32, #tpu.memory_space<hbm>>, %arg7: memref<2x1048576x4xf32, #tpu.memory_space<hbm>>, %arg8: memref<4096xf32, #tpu.memory_space<vmem>>, %arg9: memref<4096xf32, #tpu.memory_space<vmem>>, %arg10: memref<4096xf32, #tpu.memory_space<vmem>>, %arg11: memref<4096x4xf32, #tpu.memory_space<vmem>>, %arg12: memref<3200xi32, #tpu.memory_space<vmem>>, %arg13: memref<3200xi32, #tpu.memory_space<vmem>>, %arg14: memref<3200x4xf32, #tpu.memory_space<vmem>>, %arg15: memref<3200x4xf32, #tpu.memory_space<vmem>>, %arg16: memref<1024xf32, #tpu.memory_space<vmem>>, %arg17: memref<!tpu.dma_semaphore, #tpu.memory_space<semaphore_mem>>, %arg18: memref<!tpu.dma_semaphore, #tpu.memory_space<semaphore_mem>>, %arg19: memref<!tpu.dma_semaphore, #tpu.memory_space<semaphore_mem>>, %arg20: memref<!tpu.dma_semaphore, #tpu.memory_space<semaphore_mem>>) attributes {dimension_semantics = [#tpu.dimension_semantics<core_parallel>, #tpu.dimension_semantics<subcore_parallel>], iteration_bounds = array<i64: 2, 16>, scalar_prefetch = 0 : i64, scratch_operands = 14 : i64, tpu.core_type = #tpu.core_type<sc_vector_subcore>, window_params = [{transform_indices = #map}, {transform_indices = #map}, {transform_indices = #map}, {transform_indices = #map}, {transform_indices = #map}]} {
    %mul3A = arith.constant 2 : i32
    %mul3A_0 = arith.muli %arg1, %mul3A : i32
    %add3A = arith.addi %mul3A_0, %arg0 : i32
    %mul3A_1 = arith.constant 512 : i32
    %mul3A_2 = arith.muli %add3A, %mul3A_1 : i32
    %iota3A = tpu.iota {dimensions = array<i32: 0>} : vector<16xi32>
    %mul3A_3 = arith.constant 200 : i32
    %mul3A_4 = vector.broadcast %mul3A_3 : i32 to vector<16xi32>
    %mul3A_5 = arith.muli %iota3A, %mul3A_4 : vector<16xi32>
    %broadcast_in_dim3A = arith.constant 0 : i32
    %broadcast_in_dim3A_6 = vector.broadcast %broadcast_in_dim3A : i32 to vector<16xi32>
    %broadcast_in_dim3A_7 = arith.constant 1 : i32
    %broadcast_in_dim3A_8 = vector.broadcast %broadcast_in_dim3A_7 : i32 to vector<16xi32>
    %broadcast_in_dim3A_9 = arith.constant 2 : i32
    %broadcast_in_dim3A_10 = vector.broadcast %broadcast_in_dim3A_9 : i32 to vector<16xi32>
    %broadcast_in_dim3A_11 = arith.constant 0.000000e+00 : f32
    %broadcast_in_dim3A_12 = vector.broadcast %broadcast_in_dim3A_11 : f32 to vector<16xf32>
    %mul3A_13 = arith.constant 65536 : i32
    %mul3A_14 = arith.muli %arg1, %mul3A_13 : i32
    %scan3A = arith.constant 0 : i32
    %scan3A_15 = arith.constant 16 : i32
    %scan3A_16 = arith.addi %scan3A, %scan3A_15 : i32
    %scan3A_17 = arith.constant 1 : i32
    scf.for %scan3A_49 = %scan3A to %scan3A_16 step %scan3A_17  : i32 {
      %mul3A_50 = arith.constant 1 : i32
      %mul3A_51 = arith.muli %scan3A_49, %mul3A_50 : i32
      %add3A_52 = arith.constant 0 : i32
      %add3A_53 = arith.addi %add3A_52, %mul3A_51 : i32
      %mul3A_54 = arith.constant 4096 : i32
      %mul3A_55 = arith.muli %add3A_53, %mul3A_54 : i32
      %add3A_56 = arith.addi %mul3A_14, %mul3A_55 : i32
      "tpu.region"() ({
        %run_scoped3A = tpu.sem_alloc : memref<!tpu.dma_semaphore, #tpu.memory_space<semaphore_mem>>
        %dma_start3A_63 = tpu.memref_slice %arg3[%add3A_56] : memref<1048576xf32, #tpu.memory_space<hbm>> -> memref<4096xf32, #tpu.memory_space<hbm>>
        %dma_start3A_64 = tpu.memref_slice %arg3[%add3A_56] : memref<1048576xf32, #tpu.memory_space<hbm>> -> memref<4096xf32, #tpu.memory_space<hbm>>
        tpu.enqueue_dma source(%dma_start3A_64 : memref<4096xf32, #tpu.memory_space<hbm>>) target(%arg8 : memref<4096xf32, #tpu.memory_space<vmem>>) target_semaphore(%run_scoped3A : memref<!tpu.dma_semaphore, #tpu.memory_space<semaphore_mem>>)
        %dma_wait3A_65 = tpu.memref_slice %arg3[%add3A_56] : memref<1048576xf32, #tpu.memory_space<hbm>> -> memref<4096xf32, #tpu.memory_space<hbm>>
        %dma_wait3A_66 = tpu.memref_slice %arg3[%add3A_56] : memref<1048576xf32, #tpu.memory_space<hbm>> -> memref<4096xf32, #tpu.memory_space<hbm>>
        tpu.wait_dma2 semaphore(%run_scoped3A : memref<!tpu.dma_semaphore, #tpu.memory_space<semaphore_mem>>) src(%dma_wait3A_66 : memref<4096xf32, #tpu.memory_space<hbm>>) dst(%arg8 : memref<4096xf32, #tpu.memory_space<vmem>>)
        tpu.yield
      }) : () -> ()
      "tpu.region"() ({
        %run_scoped3A = tpu.sem_alloc : memref<!tpu.dma_semaphore, #tpu.memory_space<semaphore_mem>>
        %dma_start3A_63 = tpu.memref_slice %arg4[%add3A_56] : memref<1048576xf32, #tpu.memory_space<hbm>> -> memref<4096xf32, #tpu.memory_space<hbm>>
        %dma_start3A_64 = tpu.memref_slice %arg4[%add3A_56] : memref<1048576xf32, #tpu.memory_space<hbm>> -> memref<4096xf32, #tpu.memory_space<hbm>>
        tpu.enqueue_dma source(%dma_start3A_64 : memref<4096xf32, #tpu.memory_space<hbm>>) target(%arg9 : memref<4096xf32, #tpu.memory_space<vmem>>) target_semaphore(%run_scoped3A : memref<!tpu.dma_semaphore, #tpu.memory_space<semaphore_mem>>)
        %dma_wait3A_65 = tpu.memref_slice %arg4[%add3A_56] : memref<1048576xf32, #tpu.memory_space<hbm>> -> memref<4096xf32, #tpu.memory_space<hbm>>
        %dma_wait3A_66 = tpu.memref_slice %arg4[%add3A_56] : memref<1048576xf32, #tpu.memory_space<hbm>> -> memref<4096xf32, #tpu.memory_space<hbm>>
        tpu.wait_dma2 semaphore(%run_scoped3A : memref<!tpu.dma_semaphore, #tpu.memory_space<semaphore_mem>>) src(%dma_wait3A_66 : memref<4096xf32, #tpu.memory_space<hbm>>) dst(%arg9 : memref<4096xf32, #tpu.memory_space<vmem>>)
        tpu.yield
      }) : () -> ()
      "tpu.region"() ({
        %run_scoped3A = tpu.sem_alloc : memref<!tpu.dma_semaphore, #tpu.memory_space<semaphore_mem>>
        %dma_start3A_63 = tpu.memref_slice %arg5[%add3A_56] : memref<1048576xf32, #tpu.memory_space<hbm>> -> memref<4096xf32, #tpu.memory_space<hbm>>
        %dma_start3A_64 = tpu.memref_slice %arg5[%add3A_56] : memref<1048576xf32, #tpu.memory_space<hbm>> -> memref<4096xf32, #tpu.memory_space<hbm>>
        tpu.enqueue_dma source(%dma_start3A_64 : memref<4096xf32, #tpu.memory_space<hbm>>) target(%arg10 : memref<4096xf32, #tpu.memory_space<vmem>>) target_semaphore(%run_scoped3A : memref<!tpu.dma_semaphore, #tpu.memory_space<semaphore_mem>>)
        %dma_wait3A_65 = tpu.memref_slice %arg5[%add3A_56] : memref<1048576xf32, #tpu.memory_space<hbm>> -> memref<4096xf32, #tpu.memory_space<hbm>>
        %dma_wait3A_66 = tpu.memref_slice %arg5[%add3A_56] : memref<1048576xf32, #tpu.memory_space<hbm>> -> memref<4096xf32, #tpu.memory_space<hbm>>
        tpu.wait_dma2 semaphore(%run_scoped3A : memref<!tpu.dma_semaphore, #tpu.memory_space<semaphore_mem>>) src(%dma_wait3A_66 : memref<4096xf32, #tpu.memory_space<hbm>>) dst(%arg10 : memref<4096xf32, #tpu.memory_space<vmem>>)
        tpu.yield
      }) : () -> ()
      %scan3A_57 = arith.constant 0 : i32
      %scan3A_58 = arith.constant 0 : i32
      %scan3A_59 = arith.constant 256 : i32
      %scan3A_60 = arith.addi %scan3A_58, %scan3A_59 : i32
      %scan3A_61 = arith.constant 1 : i32
      scf.for %scan3A_63 = %scan3A_58 to %scan3A_60 step %scan3A_61  : i32 {
        %mul3A_64 = arith.constant 16 : i32
        %mul3A_65 = arith.muli %scan3A_63, %mul3A_64 : i32
        %add3A_66 = vector.broadcast %mul3A_65 : i32 to vector<16xi32>
        %add3A_67 = arith.addi %add3A_66, %iota3A : vector<16xi32>
        %mul3A_68 = arith.constant 16 : i32
        %mul3A_69 = arith.muli %scan3A_63, %mul3A_68 : i32
        %get3A = arith.index_cast %mul3A_69 : i32 to index
        %get3A_70 = tpu.vector_load %arg8[%get3A] {strides = array<i32>} : memref<4096xf32, #tpu.memory_space<vmem>>, vector<16xf32>,
        tpu.vector_store_idx %arg11[%add3A_67, %broadcast_in_dim3A_6], %get3A_70 : memref<4096x4xf32, #tpu.memory_space<vmem>>[vector<16xi32>, vector<16xi32>], vector<16xf32>,
        %get3A_71 = arith.index_cast %mul3A_69 : i32 to index
        %get3A_72 = tpu.vector_load %arg9[%get3A_71] {strides = array<i32>} : memref<4096xf32, #tpu.memory_space<vmem>>, vector<16xf32>,
        tpu.vector_store_idx %arg11[%add3A_67, %broadcast_in_dim3A_8], %get3A_72 : memref<4096x4xf32, #tpu.memory_space<vmem>>[vector<16xi32>, vector<16xi32>], vector<16xf32>,
        %get3A_73 = arith.index_cast %mul3A_69 : i32 to index
        %get3A_74 = tpu.vector_load %arg10[%get3A_73] {strides = array<i32>} : memref<4096xf32, #tpu.memory_space<vmem>>, vector<16xf32>,
        tpu.vector_store_idx %arg11[%add3A_67, %broadcast_in_dim3A_10], %get3A_74 : memref<4096x4xf32, #tpu.memory_space<vmem>>[vector<16xi32>, vector<16xi32>], vector<16xf32>,
      }
      %scan3A_62 = arith.constant 256 : i32
      "tpu.region"() ({
        %run_scoped3A = tpu.sem_alloc : memref<!tpu.dma_semaphore, #tpu.memory_space<semaphore_mem>>
        %dma_start3A_63 = arith.constant 0 : i32
        %dma_start3A_64 = tpu.memref_slice %arg7[%arg0, %add3A_56, %dma_start3A_63] : memref<2x1048576x4xf32, #tpu.memory_space<hbm>> -> memref<1x4096x4xf32, #tpu.memory_space<hbm>>
        %dma_start3A_65 = tpu.memref_squeeze %dma_start3A_64 : memref<1x4096x4xf32, #tpu.memory_space<hbm>> -> memref<4096x4xf32, #tpu.memory_space<hbm>>
        %dma_start3A_66 = arith.constant 0 : i32
        %dma_start3A_67 = tpu.memref_slice %arg7[%arg0, %add3A_56, %dma_start3A_66] : memref<2x1048576x4xf32, #tpu.memory_space<hbm>> -> memref<1x4096x4xf32, #tpu.memory_space<hbm>>
        %dma_start3A_68 = tpu.memref_squeeze %dma_start3A_67 : memref<1x4096x4xf32, #tpu.memory_space<hbm>> -> memref<4096x4xf32, #tpu.memory_space<hbm>>
        tpu.enqueue_dma source(%arg11 : memref<4096x4xf32, #tpu.memory_space<vmem>>) target(%dma_start3A_68 : memref<4096x4xf32, #tpu.memory_space<hbm>>) target_semaphore(%run_scoped3A : memref<!tpu.dma_semaphore, #tpu.memory_space<semaphore_mem>>)
        %dma_wait3A_69 = arith.constant 0 : i32
        %dma_wait3A_70 = tpu.memref_slice %arg7[%arg0, %add3A_56, %dma_wait3A_69] : memref<2x1048576x4xf32, #tpu.memory_space<hbm>> -> memref<1x4096x4xf32, #tpu.memory_space<hbm>>
        %dma_wait3A_71 = tpu.memref_squeeze %dma_wait3A_70 : memref<1x4096x4xf32, #tpu.memory_space<hbm>> -> memref<4096x4xf32, #tpu.memory_space<hbm>>
        %dma_wait3A_72 = arith.constant 0 : i32
        %dma_wait3A_73 = tpu.memref_slice %arg7[%arg0, %add3A_56, %dma_wait3A_72] : memref<2x1048576x4xf32, #tpu.memory_space<hbm>> -> memref<1x4096x4xf32, #tpu.memory_space<hbm>>
        %dma_wait3A_74 = tpu.memref_squeeze %dma_wait3A_73 : memref<1x4096x4xf32, #tpu.memory_space<hbm>> -> memref<4096x4xf32, #tpu.memory_space<hbm>>
        tpu.wait_dma2 semaphore(%run_scoped3A : memref<!tpu.dma_semaphore, #tpu.memory_space<semaphore_mem>>) src(%arg11 : memref<4096x4xf32, #tpu.memory_space<vmem>>) dst(%dma_wait3A_74 : memref<4096x4xf32, #tpu.memory_space<hbm>>)
        tpu.yield
      }) : () -> ()
    }
    %scan3A_18 = arith.constant 16 : i32
    %barrier3A = arith.constant 0 : index
    tpu.barrier barrier_id(%barrier3A)
    %add3A_19 = arith.constant 0 : i32
    %add3A_20 = arith.addi %mul3A_2, %add3A_19 : i32
    %mul3A_21 = arith.constant 200 : i32
    %mul3A_22 = arith.muli %add3A_20, %mul3A_21 : i32
    %dma_start3A = tpu.memref_slice %arg2[%mul3A_22] : memref<3276800xi32, #tpu.memory_space<hbm>> -> memref<3200xi32, #tpu.memory_space<hbm>>
    %dma_start3A_23 = tpu.memref_slice %arg2[%mul3A_22] : memref<3276800xi32, #tpu.memory_space<hbm>> -> memref<3200xi32, #tpu.memory_space<hbm>>
    tpu.enqueue_dma source(%dma_start3A_23 : memref<3200xi32, #tpu.memory_space<hbm>>) target(%arg12 : memref<3200xi32, #tpu.memory_space<vmem>>) target_semaphore(%arg17 : memref<!tpu.dma_semaphore, #tpu.memory_space<semaphore_mem>>)
    %add3A_24 = arith.constant 0 : i32
    %add3A_25 = arith.addi %mul3A_2, %add3A_24 : i32
    %mul3A_26 = arith.constant 200 : i32
    %mul3A_27 = arith.muli %add3A_25, %mul3A_26 : i32
    %dma_wait3A = tpu.memref_slice %arg2[%mul3A_27] : memref<3276800xi32, #tpu.memory_space<hbm>> -> memref<3200xi32, #tpu.memory_space<hbm>>
    %dma_wait3A_28 = tpu.memref_slice %arg2[%mul3A_27] : memref<3276800xi32, #tpu.memory_space<hbm>> -> memref<3200xi32, #tpu.memory_space<hbm>>
    tpu.wait_dma2 semaphore(%arg17 : memref<!tpu.dma_semaphore, #tpu.memory_space<semaphore_mem>>) src(%dma_wait3A_28 : memref<3200xi32, #tpu.memory_space<hbm>>) dst(%arg12 : memref<3200xi32, #tpu.memory_space<vmem>>)
    %dma_start3A_29 = arith.constant 0 : i32
    %dma_start3A_30 = arith.constant 0 : i32
    %dma_start3A_31 = tpu.memref_slice %arg7[%arg0, %dma_start3A_29, %dma_start3A_30] : memref<2x1048576x4xf32, #tpu.memory_space<hbm>> -> memref<1x1048576x4xf32, #tpu.memory_space<hbm>>
    %dma_start3A_32 = tpu.memref_squeeze %dma_start3A_31 : memref<1x1048576x4xf32, #tpu.memory_space<hbm>> -> memref<1048576x4xf32, #tpu.memory_space<hbm>>
    %dma_start3A_33 = arith.constant 0 : i32
    %dma_start3A_34 = arith.constant 0 : i32
    %dma_start3A_35 = tpu.memref_slice %dma_start3A_32[%dma_start3A_33, %dma_start3A_34] : memref<1048576x4xf32, #tpu.memory_space<hbm>> -> memref<1048576x4xf32, #tpu.memory_space<hbm>>
    tpu.enqueue_indirect_dma source(%dma_start3A_35 : memref<1048576x4xf32, #tpu.memory_space<hbm>>) target(%arg14 : memref<3200x4xf32, #tpu.memory_space<vmem>>) offsets(%arg12 : memref<3200xi32, #tpu.memory_space<vmem>>) semaphore(%arg19 : memref<!tpu.dma_semaphore, #tpu.memory_space<semaphore_mem>>)
    %add3A_36 = arith.constant 16 : i32
    %add3A_37 = arith.addi %mul3A_2, %add3A_36 : i32
    %mul3A_38 = arith.constant 200 : i32
    %mul3A_39 = arith.muli %add3A_37, %mul3A_38 : i32
    %dma_start3A_40 = tpu.memref_slice %arg2[%mul3A_39] : memref<3276800xi32, #tpu.memory_space<hbm>> -> memref<3200xi32, #tpu.memory_space<hbm>>
    %dma_start3A_41 = tpu.memref_slice %arg2[%mul3A_39] : memref<3276800xi32, #tpu.memory_space<hbm>> -> memref<3200xi32, #tpu.memory_space<hbm>>
    tpu.enqueue_dma source(%dma_start3A_41 : memref<3200xi32, #tpu.memory_space<hbm>>) target(%arg13 : memref<3200xi32, #tpu.memory_space<vmem>>) target_semaphore(%arg18 : memref<!tpu.dma_semaphore, #tpu.memory_space<semaphore_mem>>)
    %scan3A_42 = arith.constant 0 : i32
    %scan3A_43 = arith.constant 16 : i32
    %scan3A_44 = arith.addi %scan3A_42, %scan3A_43 : i32
    %scan3A_45 = arith.constant 1 : i32
    scf.for %scan3A_49 = %scan3A_42 to %scan3A_44 step %scan3A_45  : i32 {
      %mul3A_50 = arith.constant 1 : i32
      %mul3A_51 = arith.muli %scan3A_49, %mul3A_50 : i32
      %add3A_52 = arith.constant 0 : i32
      %add3A_53 = arith.addi %add3A_52, %mul3A_51 : i32
      %mul3A_54 = arith.constant 2 : i32
      %mul3A_55 = arith.muli %mul3A_54, %add3A_53 : i32
      %dma_wait3A_56 = arith.constant 0 : i32
      %dma_wait3A_57 = arith.constant 0 : i32
      %dma_wait3A_58 = tpu.memref_slice %arg7[%arg0, %dma_wait3A_56, %dma_wait3A_57] : memref<2x1048576x4xf32, #tpu.memory_space<hbm>> -> memref<1x1048576x4xf32, #tpu.memory_space<hbm>>
      %dma_wait3A_59 = tpu.memref_squeeze %dma_wait3A_58 : memref<1x1048576x4xf32, #tpu.memory_space<hbm>> -> memref<1048576x4xf32, #tpu.memory_space<hbm>>
      %dma_wait3A_60 = arith.constant 0 : i32
      %dma_wait3A_61 = arith.constant 0 : i32
      %dma_wait3A_62 = tpu.memref_slice %dma_wait3A_59[%dma_wait3A_60, %dma_wait3A_61] : memref<1048576x4xf32, #tpu.memory_space<hbm>> -> memref<1048576x4xf32, #tpu.memory_space<hbm>>
      tpu.wait_indirect_dma semaphore(%arg19 : memref<!tpu.dma_semaphore, #tpu.memory_space<semaphore_mem>>) src(%dma_wait3A_62 : memref<1048576x4xf32, #tpu.memory_space<hbm>>) dst(%arg14 : memref<3200x4xf32, #tpu.memory_space<vmem>>)
      %add3A_63 = arith.constant 1 : i32
      %add3A_64 = arith.addi %mul3A_55, %add3A_63 : i32
      %mul3A_65 = arith.constant 16 : i32
      %mul3A_66 = arith.muli %add3A_64, %mul3A_65 : i32
      %add3A_67 = arith.addi %mul3A_2, %mul3A_66 : i32
      %mul3A_68 = arith.constant 200 : i32
      %mul3A_69 = arith.muli %add3A_67, %mul3A_68 : i32
      %dma_wait3A_70 = tpu.memref_slice %arg2[%mul3A_69] : memref<3276800xi32, #tpu.memory_space<hbm>> -> memref<3200xi32, #tpu.memory_space<hbm>>
      %dma_wait3A_71 = tpu.memref_slice %arg2[%mul3A_69] : memref<3276800xi32, #tpu.memory_space<hbm>> -> memref<3200xi32, #tpu.memory_space<hbm>>
      tpu.wait_dma2 semaphore(%arg18 : memref<!tpu.dma_semaphore, #tpu.memory_space<semaphore_mem>>) src(%dma_wait3A_71 : memref<3200xi32, #tpu.memory_space<hbm>>) dst(%arg13 : memref<3200xi32, #tpu.memory_space<vmem>>)
      %dma_start3A_72 = arith.constant 0 : i32
      %dma_start3A_73 = arith.constant 0 : i32
      %dma_start3A_74 = tpu.memref_slice %arg7[%arg0, %dma_start3A_72, %dma_start3A_73] : memref<2x1048576x4xf32, #tpu.memory_space<hbm>> -> memref<1x1048576x4xf32, #tpu.memory_space<hbm>>
      %dma_start3A_75 = tpu.memref_squeeze %dma_start3A_74 : memref<1x1048576x4xf32, #tpu.memory_space<hbm>> -> memref<1048576x4xf32, #tpu.memory_space<hbm>>
      %dma_start3A_76 = arith.constant 0 : i32
      %dma_start3A_77 = arith.constant 0 : i32
      %dma_start3A_78 = tpu.memref_slice %dma_start3A_75[%dma_start3A_76, %dma_start3A_77] : memref<1048576x4xf32, #tpu.memory_space<hbm>> -> memref<1048576x4xf32, #tpu.memory_space<hbm>>
      tpu.enqueue_indirect_dma source(%dma_start3A_78 : memref<1048576x4xf32, #tpu.memory_space<hbm>>) target(%arg15 : memref<3200x4xf32, #tpu.memory_space<vmem>>) offsets(%arg13 : memref<3200xi32, #tpu.memory_space<vmem>>) semaphore(%arg20 : memref<!tpu.dma_semaphore, #tpu.memory_space<semaphore_mem>>)
      %lt3A = arith.constant 15 : i32
      %lt3A_79 = arith.cmpi slt, %add3A_53, %lt3A : i32
      %convert_element_type3A = arith.extui %lt3A_79 : i1 to i32
      %cond3A = arith.constant 0 : i32
      %cond3A_80 = arith.cmpi ne, %convert_element_type3A, %cond3A : i32
      scf.if %cond3A_80 {
        %add3A_139 = arith.constant 2 : i32
        %add3A_140 = arith.addi %mul3A_55, %add3A_139 : i32
        %mul3A_141 = arith.constant 16 : i32
        %mul3A_142 = arith.muli %add3A_140, %mul3A_141 : i32
        %add3A_143 = arith.addi %mul3A_2, %mul3A_142 : i32
        %mul3A_144 = arith.constant 200 : i32
        %mul3A_145 = arith.muli %add3A_143, %mul3A_144 : i32
        %dma_start3A_146 = tpu.memref_slice %arg2[%mul3A_145] : memref<3276800xi32, #tpu.memory_space<hbm>> -> memref<3200xi32, #tpu.memory_space<hbm>>
        %dma_start3A_147 = tpu.memref_slice %arg2[%mul3A_145] : memref<3276800xi32, #tpu.memory_space<hbm>> -> memref<3200xi32, #tpu.memory_space<hbm>>
        tpu.enqueue_dma source(%dma_start3A_147 : memref<3200xi32, #tpu.memory_space<hbm>>) target(%arg12 : memref<3200xi32, #tpu.memory_space<vmem>>) target_semaphore(%arg17 : memref<!tpu.dma_semaphore, #tpu.memory_space<semaphore_mem>>)
      } else {
      }
      %scan3A_81 = arith.constant 0 : i32
      %scan3A_82 = arith.constant 200 : i32
      %scan3A_83 = arith.addi %scan3A_81, %scan3A_82 : i32
      %scan3A_84 = arith.constant 1 : i32
      %scan3A_85:2 = scf.for %scan3A_139 = %scan3A_81 to %scan3A_83 step %scan3A_84 iter_args(%scan3A_140 = %broadcast_in_dim3A_12, %scan3A_141 = %broadcast_in_dim3A_12) -> (vector<16xf32>, vector<16xf32>)  : i32 {
        %add3A_142 = vector.broadcast %scan3A_139 : i32 to vector<16xi32>
        %add3A_143 = arith.addi %mul3A_5, %add3A_142 : vector<16xi32>
        %gather3A = tpu.vector_load_idx %arg14[%add3A_143, %broadcast_in_dim3A_6] : memref<3200x4xf32, #tpu.memory_space<vmem>>[vector<16xi32>, vector<16xi32>], vector<16xf32>,
        %gather3A_144 = tpu.vector_load_idx %arg14[%add3A_143, %broadcast_in_dim3A_8] : memref<3200x4xf32, #tpu.memory_space<vmem>>[vector<16xi32>, vector<16xi32>], vector<16xf32>,
        %gather3A_145 = tpu.vector_load_idx %arg14[%add3A_143, %broadcast_in_dim3A_10] : memref<3200x4xf32, #tpu.memory_space<vmem>>[vector<16xi32>, vector<16xi32>], vector<16xf32>,
        %add3A_146 = arith.constant 4.000000e-01 : f32
        %add3A_147 = vector.broadcast %add3A_146 : f32 to vector<16xf32>
        %add3A_148 = arith.addf %gather3A, %add3A_147 : vector<16xf32>
        %mul3A_149 = arith.mulf %add3A_148, %gather3A_144 : vector<16xf32>
        %add3A_150 = arith.addf %scan3A_140, %mul3A_149 : vector<16xf32>
        %mul3A_151 = arith.mulf %add3A_148, %gather3A_145 : vector<16xf32>
        %add3A_152 = arith.addf %scan3A_141, %mul3A_151 : vector<16xf32>
        scf.yield %add3A_150, %add3A_152 : vector<16xf32>, vector<16xf32>
      }
      %scan3A_86 = arith.constant 200 : i32
      %mul3A_87 = arith.constant 16 : i32
      %mul3A_88 = arith.muli %mul3A_55, %mul3A_87 : i32
      %add3A_89 = vector.broadcast %mul3A_88 : i32 to vector<16xi32>
      %add3A_90 = arith.addi %add3A_89, %iota3A : vector<16xi32>
      %mul3A_91 = arith.constant 2 : i32
      %mul3A_92 = vector.broadcast %mul3A_91 : i32 to vector<16xi32>
      %mul3A_93 = arith.muli %add3A_90, %mul3A_92 : vector<16xi32>
      %mul3A_94 = arith.constant 1.000000e-01 : f32
      %mul3A_95 = vector.broadcast %mul3A_94 : f32 to vector<16xf32>
      %mul3A_96 = arith.mulf %scan3A_85#0, %mul3A_95 : vector<16xf32>
      tpu.vector_store_idx %arg16[%mul3A_93], %mul3A_96 : memref<1024xf32, #tpu.memory_space<vmem>>[vector<16xi32>], vector<16xf32>,
      %add3A_97 = arith.constant 1 : i32
      %add3A_98 = vector.broadcast %add3A_97 : i32 to vector<16xi32>
      %add3A_99 = arith.addi %mul3A_93, %add3A_98 : vector<16xi32>
      %mul3A_100 = arith.constant 1.000000e-01 : f32
      %mul3A_101 = vector.broadcast %mul3A_100 : f32 to vector<16xf32>
      %mul3A_102 = arith.mulf %scan3A_85#1, %mul3A_101 : vector<16xf32>
      tpu.vector_store_idx %arg16[%add3A_99], %mul3A_102 : memref<1024xf32, #tpu.memory_space<vmem>>[vector<16xi32>], vector<16xf32>,
      %dma_wait3A_103 = arith.constant 0 : i32
      %dma_wait3A_104 = arith.constant 0 : i32
      %dma_wait3A_105 = tpu.memref_slice %arg7[%arg0, %dma_wait3A_103, %dma_wait3A_104] : memref<2x1048576x4xf32, #tpu.memory_space<hbm>> -> memref<1x1048576x4xf32, #tpu.memory_space<hbm>>
      %dma_wait3A_106 = tpu.memref_squeeze %dma_wait3A_105 : memref<1x1048576x4xf32, #tpu.memory_space<hbm>> -> memref<1048576x4xf32, #tpu.memory_space<hbm>>
      %dma_wait3A_107 = arith.constant 0 : i32
      %dma_wait3A_108 = arith.constant 0 : i32
      %dma_wait3A_109 = tpu.memref_slice %dma_wait3A_106[%dma_wait3A_107, %dma_wait3A_108] : memref<1048576x4xf32, #tpu.memory_space<hbm>> -> memref<1048576x4xf32, #tpu.memory_space<hbm>>
      tpu.wait_indirect_dma semaphore(%arg20 : memref<!tpu.dma_semaphore, #tpu.memory_space<semaphore_mem>>) src(%dma_wait3A_109 : memref<1048576x4xf32, #tpu.memory_space<hbm>>) dst(%arg15 : memref<3200x4xf32, #tpu.memory_space<vmem>>)
      %lt3A_110 = arith.constant 15 : i32
      %lt3A_111 = arith.cmpi slt, %add3A_53, %lt3A_110 : i32
      %convert_element_type3A_112 = arith.extui %lt3A_111 : i1 to i32
      %cond3A_113 = arith.constant 0 : i32
      %cond3A_114 = arith.cmpi ne, %convert_element_type3A_112, %cond3A_113 : i32
      scf.if %cond3A_114 {
        %add3A_139 = arith.constant 2 : i32
        %add3A_140 = arith.addi %mul3A_55, %add3A_139 : i32
        %mul3A_141 = arith.constant 16 : i32
        %mul3A_142 = arith.muli %add3A_140, %mul3A_141 : i32
        %add3A_143 = arith.addi %mul3A_2, %mul3A_142 : i32
        %mul3A_144 = arith.constant 200 : i32
        %mul3A_145 = arith.muli %add3A_143, %mul3A_144 : i32
        %dma_wait3A_146 = tpu.memref_slice %arg2[%mul3A_145] : memref<3276800xi32, #tpu.memory_space<hbm>> -> memref<3200xi32, #tpu.memory_space<hbm>>
        %dma_wait3A_147 = tpu.memref_slice %arg2[%mul3A_145] : memref<3276800xi32, #tpu.memory_space<hbm>> -> memref<3200xi32, #tpu.memory_space<hbm>>
        tpu.wait_dma2 semaphore(%arg17 : memref<!tpu.dma_semaphore, #tpu.memory_space<semaphore_mem>>) src(%dma_wait3A_147 : memref<3200xi32, #tpu.memory_space<hbm>>) dst(%arg12 : memref<3200xi32, #tpu.memory_space<vmem>>)
        %dma_start3A_148 = arith.constant 0 : i32
        %dma_start3A_149 = arith.constant 0 : i32
        %dma_start3A_150 = tpu.memref_slice %arg7[%arg0, %dma_start3A_148, %dma_start3A_149] : memref<2x1048576x4xf32, #tpu.memory_space<hbm>> -> memref<1x1048576x4xf32, #tpu.memory_space<hbm>>
        %dma_start3A_151 = tpu.memref_squeeze %dma_start3A_150 : memref<1x1048576x4xf32, #tpu.memory_space<hbm>> -> memref<1048576x4xf32, #tpu.memory_space<hbm>>
        %dma_start3A_152 = arith.constant 0 : i32
        %dma_start3A_153 = arith.constant 0 : i32
        %dma_start3A_154 = tpu.memref_slice %dma_start3A_151[%dma_start3A_152, %dma_start3A_153] : memref<1048576x4xf32, #tpu.memory_space<hbm>> -> memref<1048576x4xf32, #tpu.memory_space<hbm>>
        tpu.enqueue_indirect_dma source(%dma_start3A_154 : memref<1048576x4xf32, #tpu.memory_space<hbm>>) target(%arg14 : memref<3200x4xf32, #tpu.memory_space<vmem>>) offsets(%arg12 : memref<3200xi32, #tpu.memory_space<vmem>>) semaphore(%arg19 : memref<!tpu.dma_semaphore, #tpu.memory_space<semaphore_mem>>)
        %add3A_155 = arith.constant 3 : i32
        %add3A_156 = arith.addi %mul3A_55, %add3A_155 : i32
        %mul3A_157 = arith.constant 16 : i32
        %mul3A_158 = arith.muli %add3A_156, %mul3A_157 : i32
        %add3A_159 = arith.addi %mul3A_2, %mul3A_158 : i32
        %mul3A_160 = arith.constant 200 : i32
        %mul3A_161 = arith.muli %add3A_159, %mul3A_160 : i32
        %dma_start3A_162 = tpu.memref_slice %arg2[%mul3A_161] : memref<3276800xi32, #tpu.memory_space<hbm>> -> memref<3200xi32, #tpu.memory_space<hbm>>
        %dma_start3A_163 = tpu.memref_slice %arg2[%mul3A_161] : memref<3276800xi32, #tpu.memory_space<hbm>> -> memref<3200xi32, #tpu.memory_space<hbm>>
        tpu.enqueue_dma source(%dma_start3A_163 : memref<3200xi32, #tpu.memory_space<hbm>>) target(%arg13 : memref<3200xi32, #tpu.memory_space<vmem>>) target_semaphore(%arg18 : memref<!tpu.dma_semaphore, #tpu.memory_space<semaphore_mem>>)
      } else {
      }
      %add3A_115 = arith.constant 1 : i32
      %add3A_116 = arith.addi %mul3A_55, %add3A_115 : i32
      %scan3A_117 = arith.constant 0 : i32
      %scan3A_118 = arith.constant 200 : i32
      %scan3A_119 = arith.addi %scan3A_117, %scan3A_118 : i32
      %scan3A_120 = arith.constant 1 : i32
      %scan3A_121:2 = scf.for %scan3A_139 = %scan3A_117 to %scan3A_119 step %scan3A_120 iter_args(%scan3A_140 = %broadcast_in_dim3A_12, %scan3A_141 = %broadcast_in_dim3A_12) -> (vector<16xf32>, vector<16xf32>)  : i32 {
        %add3A_142 = vector.broadcast %scan3A_139 : i32 to vector<16xi32>
        %add3A_143 = arith.addi %mul3A_5, %add3A_142 : vector<16xi32>
        %gather3A = tpu.vector_load_idx %arg15[%add3A_143, %broadcast_in_dim3A_6] : memref<3200x4xf32, #tpu.memory_space<vmem>>[vector<16xi32>, vector<16xi32>], vector<16xf32>,
        %gather3A_144 = tpu.vector_load_idx %arg15[%add3A_143, %broadcast_in_dim3A_8] : memref<3200x4xf32, #tpu.memory_space<vmem>>[vector<16xi32>, vector<16xi32>], vector<16xf32>,
        %gather3A_145 = tpu.vector_load_idx %arg15[%add3A_143, %broadcast_in_dim3A_10] : memref<3200x4xf32, #tpu.memory_space<vmem>>[vector<16xi32>, vector<16xi32>], vector<16xf32>,
        %add3A_146 = arith.constant 4.000000e-01 : f32
        %add3A_147 = vector.broadcast %add3A_146 : f32 to vector<16xf32>
        %add3A_148 = arith.addf %gather3A, %add3A_147 : vector<16xf32>
        %mul3A_149 = arith.mulf %add3A_148, %gather3A_144 : vector<16xf32>
        %add3A_150 = arith.addf %scan3A_140, %mul3A_149 : vector<16xf32>
        %mul3A_151 = arith.mulf %add3A_148, %gather3A_145 : vector<16xf32>
        %add3A_152 = arith.addf %scan3A_141, %mul3A_151 : vector<16xf32>
        scf.yield %add3A_150, %add3A_152 : vector<16xf32>, vector<16xf32>
      }
      %scan3A_122 = arith.constant 200 : i32
      %mul3A_123 = arith.constant 16 : i32
      %mul3A_124 = arith.muli %add3A_116, %mul3A_123 : i32
      %add3A_125 = vector.broadcast %mul3A_124 : i32 to vector<16xi32>
      %add3A_126 = arith.addi %add3A_125, %iota3A : vector<16xi32>
      %mul3A_127 = arith.constant 2 : i32
      %mul3A_128 = vector.broadcast %mul3A_127 : i32 to vector<16xi32>
      %mul3A_129 = arith.muli %add3A_126, %mul3A_128 : vector<16xi32>
      %mul3A_130 = arith.constant 1.000000e-01 : f32
      %mul3A_131 = vector.broadcast %mul3A_130 : f32 to vector<16xf32>
      %mul3A_132 = arith.mulf %scan3A_121#0, %mul3A_131 : vector<16xf32>
      tpu.vector_store_idx %arg16[%mul3A_129], %mul3A_132 : memref<1024xf32, #tpu.memory_space<vmem>>[vector<16xi32>], vector<16xf32>,
      %add3A_133 = arith.constant 1 : i32
      %add3A_134 = vector.broadcast %add3A_133 : i32 to vector<16xi32>
      %add3A_135 = arith.addi %mul3A_129, %add3A_134 : vector<16xi32>
      %mul3A_136 = arith.constant 1.000000e-01 : f32
      %mul3A_137 = vector.broadcast %mul3A_136 : f32 to vector<16xf32>
      %mul3A_138 = arith.mulf %scan3A_121#1, %mul3A_137 : vector<16xf32>
      tpu.vector_store_idx %arg16[%add3A_135], %mul3A_138 : memref<1024xf32, #tpu.memory_space<vmem>>[vector<16xi32>], vector<16xf32>,
    }
    %scan3A_46 = arith.constant 16 : i32
    %mul3A_47 = arith.constant 2 : i32
    %mul3A_48 = arith.muli %mul3A_2, %mul3A_47 : i32
    "tpu.region"() ({
      %run_scoped3A = tpu.sem_alloc : memref<!tpu.dma_semaphore, #tpu.memory_space<semaphore_mem>>
      %dma_start3A_49 = tpu.memref_slice %arg6[%mul3A_48] : memref<32768xf32, #tpu.memory_space<hbm>> -> memref<1024xf32, #tpu.memory_space<hbm>>
      %dma_start3A_50 = tpu.memref_slice %arg6[%mul3A_48] : memref<32768xf32, #tpu.memory_space<hbm>> -> memref<1024xf32, #tpu.memory_space<hbm>>
      tpu.enqueue_dma source(%arg16 : memref<1024xf32, #tpu.memory_space<vmem>>) target(%dma_start3A_50 : memref<1024xf32, #tpu.memory_space<hbm>>) target_semaphore(%run_scoped3A : memref<!tpu.dma_semaphore, #tpu.memory_space<semaphore_mem>>)
      %dma_wait3A_51 = tpu.memref_slice %arg6[%mul3A_48] : memref<32768xf32, #tpu.memory_space<hbm>> -> memref<1024xf32, #tpu.memory_space<hbm>>
      %dma_wait3A_52 = tpu.memref_slice %arg6[%mul3A_48] : memref<32768xf32, #tpu.memory_space<hbm>> -> memref<1024xf32, #tpu.memory_space<hbm>>
      tpu.wait_dma2 semaphore(%run_scoped3A : memref<!tpu.dma_semaphore, #tpu.memory_space<semaphore_mem>>) src(%arg16 : memref<1024xf32, #tpu.memory_space<vmem>>) dst(%dma_wait3A_52 : memref<1024xf32, #tpu.memory_space<hbm>>)
      tpu.yield
    }) : () -> ()
    return
  }
}

</mosaic_0001>

<sc_bundles>
// kernel: kernel.3.cloned.1.call-start
scs
__scs_entry_jumppad:
0x0: {  	(pc) =	sbr.rel $0x88, $3  }
0x1: {  	(tag) =	ssettag $0x0;
	lr =	simm.s32 $0x1  }
0x2: {  	[smem:$0x3F9E] =	sst lr;
	_ =	strace $0xD0000000  }
0x3: {  	_ = 	snop  }
0x4: {  	_ = 	snop  }
0x5: {  	_ = 	snop  }
0x6: {  	_ = 	snop  }
0x7: {  	_ = 	snop  }
__scs_overlays_trampoline_lowered:
0x8: {  	[smem:$0x3FAD] =	sst s0  }
0x9: {  	[smem:$0x3FAE] =	sst s1  }
0xa: {  	[smem:$0x3FAF] =	sst s2  }
0xb: {  	[smem:$0x3FB0] =	sst s3  }
0xc: {  	[smem:$0x3FB1] =	sst s4  }
0xd: {  	[smem:$0x3FB2] =	sst s5  }
0xe: {  	[smem:$0x3FB3] =	sst s6  }
0xf: {  	[smem:$0x3FB4] =	sst s7  }
0x10: {  	[smem:$0x3FB5] =	sst s8  }
0x11: {  	[smem:$0x3FB6] =	sst s9;
	s0 =	simm.s32 @!p0 $0x0  }
0x12: {  	s1 =	sld [smem:$0x3F9C];
	s0 =	simm.s32 @p0 $0x1  }
0x13: {  	[smem:$0x3FB7] =	sst s0;
	s0 =	simm.s32 @!p1 $0x0  }
0x14: {  	s2 =	sld [smem:$0x3F9B];
	s0 =	simm.s32 @p1 $0x1  }
0x15: {  	[smem:$0x3FB8] =	sst s0;
	s0 =	simm.s32 @!p2 $0x0  }
0x16: {  	s3 =	sld [smem:$0x3FDB];
	s0 =	simm.s32 @p2 $0x1  }
0x17: {  	s4 =	simm.s32 $0x1BF5;
	[smem:$0x3FBA] =	sst s0  }
0x18: {  	s0 =	sld [smem:$0x3F9D];
	_ =	swait.ge [sflag:s4], $0x0  }
0x19: {  	s7 =	sld [smem:$0x3F9E]  }
0x1a: {  	s8 =	sadd.s32 $0xFFFFE003, lr  }
0x1b: {  	s9 =	sadd.s32 $0xFFFFFEF7, lr;
	s5 =	simm.s32 $0xFFFFFFFF;
	p2 =	slt.u32 s8, $0xFFFFF086  }
0x1c: {  	p1 =	slt.u32 s9, $0xF7A;
	s5 =	simm.s32 @!p2 $0x0  }
0x1d: {  	s5 =	simm.s32 @p1 $0x1;
	p0 =	seq.s32 s7, s2  }
0x1e: {  	s7 =	smul.u32 @!p0 $0xF7A, s2;
	p2 =	seq.s32 @!p0 s5, $0x0  }
0x1f: {  	s9 =	smul.u32 $0xF7A, s1;
	s8 =	simm.s32 @!p0 $0x1BF5;
	p2 =	por !p2, p0  }
0x20: {  	[sflag:s8] =	ssyncset.s32 @!p0 $0xFFFFF086;
	s6 =	sadd.s32 @!p0 s3, s7;
	s7 =	simm.s32 @!p0 $0x108  }
0x21: {  	s3 =	sadd.s32 s3, s9;
	s6 =	sadd.s32 @!p0 $0x88, s6;
	s7 =	simm.s32 @p2 $0x1082  }
0x22: {  	[simem:s7], [sflag:s8] =	dma.local @!p0 [hbm:s6], $0xF7A  }
0x23: {  	s9 =	sor.u32 $0xD0000000, s2;
	s6 =	simm.s32 $0x108;
	_ =	swait.ge @!p0 [sflag:s8], $0x0  }
0x24: {  	s3 =	sadd.s32 $0x88, s3;
	s6 =	simm.s32 @!p1 $0x1082;
	[sflag:s4] =	ssyncset.s32 $0xFFFFF086  }
0x25: {  	[simem:s6], [sflag:s4] =	dma.local [hbm:s3], $0xF7A  }
0x26: {  	[smem:$0x3F9E] =	sst s1;
	(tag) =	ssettag s2;
	_ =	strace s9  }
0x27: {  	s1 =	sld [smem:$0x3FAE]  }
0x28: {  	s2 =	sld [smem:$0x3FAF]  }
0x29: {  	s4 =	sld [smem:$0x3FB1]  }
0x2a: {  	p0 =	seq.s32 s5, $0x0;
	s5 =	sld [smem:$0x3FB2]  }
0x2b: {  	s6 =	sld [smem:$0x3FB3]  }
0x2c: {  	s7 =	sld [smem:$0x3FB4]  }
0x2d: {  	s3 =	simm.s32 $0x108;
	s8 =	sld [smem:$0x3FB5]  }
0x2e: {  	s3 =	simm.s32 @!p0 $0x1082;
	s9 =	sld [smem:$0x3FB6]  }
0x2f: {  	lr =	sadd.s32 s0, s3;
	s0 =	sld [smem:$0x3FAD]  }
0x30: {  	s3 =	sld [smem:$0x3FB0]  }
0x31: {  	[smem:$0x3FB9] =	sst s10  }
0x32: {  	s10 =	sld [smem:$0x3FB7];
	_ =	sdelay $0x3  }
0x33: {  	p0 =	seq.s32 s10, $0x1;
	s10 =	sld [smem:$0x3FB9];
	_ =	sdelay $0x3  }
0x34: {  	[smem:$0x3FB9] =	sst s10  }
0x35: {  	s10 =	sld [smem:$0x3FB8];
	_ =	sdelay $0x3  }
0x36: {  	p1 =	seq.s32 s10, $0x1;
	s10 =	sld [smem:$0x3FB9];
	_ =	sdelay $0x3  }
0x37: {  	[smem:$0x3FB9] =	sst s10  }
0x38: {  	s10 =	sld [smem:$0x3FBA]  }
0x39: {  	_ = 	snop;
	(pc) =	sbr.ind lr, $3  }
0x3a: {  	_ = 	snop  }
0x3b: {  	_ = 	snop  }
0x3c: {  	p2 =	seq.s32 s10, $0x1;
	s10 =	sld [smem:$0x3FB9]  }
0x3d: {  	_ =	shalt  }
0x3e: {  	_ =	shalt  }
0x3f: {  	_ =	shalt  }
0x40: {  	_ =	shalt  }
0x41: {  	_ =	shalt  }
0x42: {  	_ =	shalt  }
0x43: {  	_ =	shalt  }
0x44: {  	_ =	shalt  }
0x45: {  	_ =	shalt  }
0x46: {  	_ =	shalt  }
0x47: {  	_ =	shalt  }
0x48: {  	_ =	shalt  }
0x49: {  	_ =	shalt  }
0x4a: {  	_ =	shalt  }
0x4b: {  	_ =	shalt  }
0x4c: {  	_ =	shalt  }
0x4d: {  	_ =	shalt  }
0x4e: {  	_ =	shalt  }
0x4f: {  	_ =	shalt  }
0x50: {  	_ =	shalt  }
0x51: {  	_ =	shalt  }
0x52: {  	_ =	shalt  }
0x53: {  	_ =	shalt  }
0x54: {  	_ =	shalt  }
0x55: {  	_ =	shalt  }
0x56: {  	_ =	shalt  }
0x57: {  	_ =	shalt  }
0x58: {  	_ =	shalt  }
0x59: {  	_ =	shalt  }
0x5a: {  	_ =	shalt  }
0x5b: {  	_ =	shalt  }
0x5c: {  	_ =	shalt  }
0x5d: {  	_ =	shalt  }
0x5e: {  	_ =	shalt  }
0x5f: {  	_ =	shalt  }
0x60: {  	_ =	shalt  }
0x61: {  	_ =	shalt  }
0x62: {  	_ =	shalt  }
0x63: {  	_ =	shalt  }
0x64: {  	_ =	shalt  }
0x65: {  	_ =	shalt  }
0x66: {  	_ =	shalt  }
0x67: {  	_ =	shalt  }
0x68: {  	_ =	shalt  }
0x69: {  	_ =	shalt  }
0x6a: {  	_ =	shalt  }
0x6b: {  	_ =	shalt  }
0x6c: {  	_ =	shalt  }
0x6d: {  	_ =	shalt  }
0x6e: {  	_ =	shalt  }
0x6f: {  	_ =	shalt  }
0x70: {  	_ =	shalt  }
0x71: {  	_ =	shalt  }
0x72: {  	_ =	shalt  }
0x73: {  	_ =	shalt  }
0x74: {  	_ =	shalt  }
0x75: {  	_ =	shalt  }
0x76: {  	_ =	shalt  }
0x77: {  	_ =	shalt  }
0x78: {  	_ =	shalt  }
0x79: {  	_ =	shalt  }
0x7a: {  	_ =	shalt  }
0x7b: {  	_ =	shalt  }
0x7c: {  	_ =	shalt  }
0x7d: {  	_ =	shalt  }
0x7e: {  	_ =	shalt  }
0x7f: {  	_ =	shalt  }
0x80: {  	_ =	shalt  }
0x81: {  	_ =	shalt  }
0x82: {  	_ =	shalt  }
0x83: {  	_ =	shalt  }
0x84: {  	_ =	shalt  }
0x85: {  	_ =	shalt  }
0x86: {  	_ =	shalt  }
0x87: {  	_ =	shalt  }
.Lfunc_end0:
.L_simem_size_0:
called_computation_lowered:
.L_overlay_start_0:
0x88: {  	s2 =	sld [smem:$0x3FD9]  }
0x89: {  	s3 =	sld [smem:$0x3FFE];
	_ =	sdelay $0x1  }
0x8a: {  	s1 =	srdreg.scid  }
0x8b: {  	s0 =	sand.u32 $0x1, s1  }
0x8c: {  	s18 =	sshll.u32 s0, $0xA;
	s2 =	sadd.s32 s3, s2  }
0x8d: {  	s3 =	sadd.s32 s2, s18  }
0x8e: {  	[smem:$0x3FC5] =	sst s3  }
0x8f: {  	_ = 	snop  }
0x90: {  	s3 =	sld [smem:$0x3FD0];
	(tm) =	ssettm $0x1  }
0x91: {  	s4 =	sld [smem:$0x3FFB];
	_ =	sdelay $0x3  }
0x92: {  	_ =	strace s4  }
0x93: {  	s4 =	sld [smem:$0x3FFC];
	_ =	sdelay $0x3  }
0x94: {  	_ =	strace s4  }
0x95: {  	s4 =	sld [smem:$0x3FFD];
	_ =	sdelay $0x3  }
0x96: {  	_ =	strace s4  }
0x97: {  	_ =	strace $0x8FFFFFFF  }
0x98: {  	s19 =	sld [smem:$0x3FDB];
	_ =	sdelay $0x1  }
0x99: {  	s5 =	simm.s32 $_scs_section_size  }
0x9a: {  	s6 =	simm.s32 $_size__tile_overlayer_lowered;
	s7 =	simm.s32 $_tile_overlayer_lowered  }
0x9b: {  	s22 =	simm.s32 $0x1BFF;
	s21 =	sshll.u32 s7, $0x1;
	s4 =	sadd.s32 s5, s19  }
0x9c: {  	s8 =	simm.s32 $0x0;
	s20 =	sshll.u32 s6, $0x1;
	s6 =	sadd.s32 s21, s4  }
0x9d: {  	[timem:s8], [sflag:s22] =	dma.local [hbm:s6], s20  }
0x9e: {  	_ =	swait.ge [sflag:s22], s20  }
0x9f: {  	s5 =	ssub.s32 $0x0, s20;
	[sflag:s22] =	ssyncset.done $0x0  }
0xa0: {  	[sflag:s22] =	ssyncadd.s32 s5;
	_ =	sdelay $0x1  }
0xa1: {  	s23 =	simm.s32 $0x1B8B  }
0xa2: {  	_ =	swait.ge [sflag:s23], $0x1  }
0xa3: {  	[sflag:s23] =	ssyncset.done $0x0  }
0xa4: {  	s25 =	simm.s32 $0x1B8E;
	s24 =	sld [smem:$0x3FFE];
	[sflag:s23] =	ssyncadd.s32 $0xFFFFFFFF  }
0xa5: {  	s26 =	simm.s32 $execute0_lowered;
	[smem:$0x3FD2] =	sst s25  }
0xa6: {  	s6 =	sshll.u32 s26, $0x1;
	_ =	strace $0x80000046;
	[dreg:$0x1] =	wrdreg $0xFFFFFFFF  }
0xa7: {  	s28 =	simm.s32 $_size_execute0_lowered;
	s4 =	sadd.s32 s4, s6;
	[dreg:$0x0] =	wrdreg $0x0  }
0xa8: {  	s6 =	sshll.u32 s28, $0x1;
	[dreg:$0x2] =	wrdreg s4  }
0xa9: {  	[dreg:$0x3] =	wrdreg s6  }
0xaa: {  	[dreg:$0x4] =	wrdreg $0xC0  }
0xab: {  	_ =	task [dreg:s8], $0x5FFFF  }
0xac: {  	[dreg:$0x1] =	wrdreg $0xFFFFFFFF  }
0xad: {  	[dreg:$0x0] =	wrdreg $0x60  }
0xae: {  	[dreg:$0x2] =	wrdreg s24  }
0xaf: {  	s2 =	sadd.s32 $0x800, s2;
	[dreg:$0x3] =	wrdreg s3  }
0xb0: {  	[dreg:$0x4] =	wrdreg s2  }
0xb1: {  	[dreg:$0x5] =	wrdreg $0x9  }
0xb2: {  	_ =	task.clear_ibuf [dreg:s8], $0x6FFFF;
	_ =	strace $0x90000046  }
0xb3: {  	s29 =	simm.s32 $0x9;
	_ =	strace $0x80000048  }
0xb4: {  	_ =	swait.ge [sflag:s29], $0x1  }
0xb5: {  	[sflag:s29] =	ssyncadd.s32 $0xFFFFFFFF  }
0xb6: {  	_ =	strace $0x90000048  }
0xb7: {  	_ =	sfence  }
0xb8: {  	s30 =	sld [smem:$0x0];
	_ =	sdelay $0x2  }
0xb9: {  	s31 =	sshll.u32 s1, $0xD;
	s1 =	sshrl.u32 s1, $0x2  }
0xba: {  	s3 =	sand.u32 $0x4000, s31;
	s1 =	sadd.s32 s1, s30  }
0xbb: {  	s0 =	sor.u32 s3, s0;
	s1 =	sshll.u32 s1, $0x11  }
0xbc: {  	s0 =	sor.u32 s1, s0  }
0xbd: {  	s0 =	sadd.s32 $0x8F2B, s0  }
0xbe: {  	[sflag:s0] =	ssyncadd.remote.s32 $0x1  }
0xbf: {  	_ =	sfence.sel $0xFFFF  }
0xc0: {  	[dreg:$0x0] =	wrdreg $0xFFFFFFFF;
	(pc) =	sbr.abs _section_cstart, $3  }
0xc1: {  	[dreg:$0x1] =	wrdreg $0xFFFFFFFF  }
0xc2: {  	_ =	task.clear_ibuf [dreg:s8], $0x2FFFF;
	_ =	strace $0x9FFFFFFF  }
0xc3: {  	(tm) =	ssettm $0x7FFFFFFF  }
tec
execute0_lowered:
.L_overlay_start_1:
0x0: {  	(tag) =	ssettag $0x1  }
0x1: {  	s1 =	rddreg [dreg:$0x0]  }
0x2: {  	s0 =	rddreg [dreg:$0x1]  }
0x3: {  	s3 =	rddreg [dreg:$0x2];
	s4 =	simm.s32 $0x0  }
0x4: {  	s2 =	srdreg.scid;
	s12 =	stileid.u32;
	s16 =	simm.s32 $0x5  }
0x5: {  	s17 =	simm.s32 $0x3000;
	s19 =	simm.s32 $0x1;
	s20 =	simm.s32 $0xC80  }
0x6: {  	s21 =	simm.s32 $0xC900;
	s22 =	simm.s32 $0xBC80;
	s23 =	simm.s32 $0x3  }
0x7: {  	s24 =	simm.s32 $0x2;
	s25 =	simm.s32 $0x12D00;
	s28 =	simm.s32 $0x4  }
0x8: {  	s29 =	simm.s32 $0x0;
	[smem:$0x7FF] =	sst s4;
	s2 =	sand.u32 $0x1, s2  }
0x9: {  	s5 =	sshll.u32 s12, $0x1;
	s6 =	sadd.s32 $0x84000, s1;
	s7 =	sadd.s32 $0xA4000, s1  }
0xa: {  	_ =	strace $0x80000047;
	s11 =	sor.u32 s2, s5;
	s8 =	ssub.s32 $0x2, s2  }
0xb: {  	s5 =	sadd.s32 $0x64000, s1;
	s9 =	smul.u32 $0x3200, s11;
	s10 =	sshrl.u32 s8, $0x1  }
0xc: {  	s13 =	sshll.u32 s11, $0x9;
	s30 =	sshll.u32 s11, $0x7;
	s15 =	ssub.s32 s8, s10  }
0xd: {  	s10 =	sshll.u32 s2, $0x14;
	s0 =	sadd.s32 s0, s30;
	s8 =	sadd.s32 s1, s9  }
0xe: {  	s9 =	sshll.u32 s12, $0x10;
	[dreg:$0x5] =	wrdreg s0;
	s31 =	smax.u32 s15, $0x1  }
0xf: {  	v2 =	vlaneseq.u32;
	s12 =	sor.u32 $0x20, s13;
	s26 =	sadd.s32 $0x190, s8;
	[dreg:$0x6] =	wrdreg s31  }
0x10: {  	v0 =	vmul.u32 $0x8, v2;
	v1 =	vmul.u32 $0x640, v2;
	v2 =	vmul.u32 $0x2, v2;
	s13 =	sor.u32 $0x30, s13;
	[dreg:$0x4] =	wrdreg s26;
	s26 =	simm.s32 $0x19100  }
.LBB2_1:
0x11: {  	s0 =	simm.s32 $0x0  }
.LBB2_2:
0x12: {  	s2 =	sshll.u32 s0, $0xC  }
0x13: {  	s2 =	sadd.s32 s9, s2  }
0x14: {  	s18 =	sshrl.u32 s2, $0x3  }
0x15: {  	s11 =	simm.s32 $0x0;
	s30 =	sadd.s32 s5, s18  }
0x16: {  	[tilespmem:s11], [sflag:$0x5] =	stream.linear.gather [hbm4b:s30+s11], $0x1000, $0x38;
	[tilespmem:$0x19500] =	vst v63  }
0x17: {  	_ =	swait.ge [sflag:s16], $0x1000  }
0x18: {  	[sflag:s16] =	ssyncset.done $0x0  }
0x19: {  	s31 =	sadd.s32 s6, s18;
	s30 =	simm.s32 $0x1000;
	[sflag:s16] =	ssyncadd.s32 $0xFFFFF000  }
0x1a: {  	[tilespmem:s30], [sflag:$0x5] =	stream.linear.gather [hbm4b:s31+s11], $0x1000, $0x38;
	[tilespmem:$0x19500] =	vst v63  }
0x1b: {  	_ =	swait.ge [sflag:s16], $0x1000  }
0x1c: {  	[sflag:s16] =	ssyncset.done $0x0  }
0x1d: {  	s18 =	sadd.s32 s7, s18;
	s31 =	simm.s32 $0x2000;
	[sflag:s16] =	ssyncadd.s32 $0xFFFFF000  }
0x1e: {  	[tilespmem:s31], [sflag:$0x5] =	stream.linear.gather [hbm4b:s18+s11], $0x1000, $0x38;
	[tilespmem:$0x19500] =	vst v63  }
0x1f: {  	_ =	swait.ge [sflag:s16], $0x1000  }
0x20: {  	v3 =	vmov s11;
	[sflag:s16] =	ssyncset.done $0x0  }
0x21: {  	v3 =	vshll.u32 v3, $0x3;
	[sflag:s16] =	ssyncadd.s32 $0xFFFFF000  }
0x22: {  	v5 =	vor.u32 v0, v3;
	v4 =	vld [tilespmem:s11+$0x0];
	_ =	sdelay $0x4  }
0x23: {  	[tilespmem:v5+s17+$0x0] =	vst.idx.msk $0xffff, v4  }
0x24: {  	v4 =	vor.u32 $0x1, v5;
	v3 =	vld [tilespmem:s30+$0x0];
	_ =	sdelay $0x4  }
0x25: {  	[tilespmem:v4+s17+$0x0] =	vst.idx.msk $0xffff, v3  }
0x26: {  	v4 =	vor.u32 $0x2, v5;
	v3 =	vld [tilespmem:s31+$0x0];
	_ =	sdelay $0x2  }
0x27: {  	s15 =	simm.s32 $0x10  }
0x28: {  	s18 =	simm.s32 $0x20;
	v5 =	vmov s15  }
.LBB2_3:
0x29: {  	p0 =	sne.s32 s18, $0xFF0;
	v5 =	vshll.u32 v5, $0x3;
	[tilespmem:v4+s17+$0x0] =	vst.idx.msk $0xffff, v3;
	s11 =	sadd.s32 $0x10, s11  }
0x2a: {  	v3 =	vld [tilespmem:s11+$0x0];
	v4 =	vor.u32 v0, v5;
	_ =	sdelay $0x4  }
0x2b: {  	s30 =	sadd.s32 $0x10, s30;
	[tilespmem:v4+s17+$0x0] =	vst.idx.msk $0xffff, v3  }
0x2c: {  	v5 =	vor.u32 $0x1, v4;
	v3 =	vld [tilespmem:s30+$0x0];
	_ =	sdelay $0x4  }
0x2d: {  	s31 =	sadd.s32 $0x10, s31;
	[tilespmem:v5+s17+$0x0] =	vst.idx.msk $0xffff, v3  }
.Ltmp0:
0x2e: {  	v4 =	vor.u32 $0x2, v4;
	v3 =	vld [tilespmem:s31+$0x0];
	(pc) =	sbr.rel @p0 .LBB2_3-.Ltmp0, $2  }
0x2f: {  	_ =	sdelay $0x2  }
0x30: {  	v5 =	vmov s18;
	s18 =	sadd.s32 $0x10, s18  }
0x31: {  	_ =	sdelay $0x3  }
0x32: {  	v5 =	vshll.u32 v5, $0x3;
	[tilespmem:v4+s17+$0x0] =	vst.idx.msk $0xffff, v3;
	s11 =	sadd.s32 $0x10, s11  }
0x33: {  	v3 =	vld [tilespmem:s11+$0x0];
	v63 =	vor.u32 v0, v5;
	_ =	sdelay $0x4  }
0x34: {  	s30 =	sadd.s32 $0x10, s30;
	[tilespmem:v63+s17+$0x0] =	vst.idx.msk $0xffff, v3  }
0x35: {  	v5 =	vor.u32 $0x1, v63;
	v3 =	vld [tilespmem:s30+$0x0];
	_ =	sdelay $0x4  }
0x36: {  	s31 =	sadd.s32 $0x10, s31;
	[tilespmem:v5+s17+$0x0] =	vst.idx.msk $0xffff, v3  }
0x37: {  	v4 =	vor.u32 $0x2, v63;
	v3 =	vld [tilespmem:s31+$0x0];
	_ =	sdelay $0x2  }
0x38: {  	s0 =	sadd.s32 $0x1, s0  }
0x39: {  	s2 =	sadd.s32 s10, s2;
	p0 =	sne.s32 s0, $0x10  }
.Ltmp1:
0x3a: {  	s2 =	sadd.s32 s3, s2;
	[tilespmem:v4+s17+$0x0] =	vst.idx.msk $0xffff, v3;
	(pc) =	sbr.rel @p0 .LBB2_2-.Ltmp1, $4  }
0x3b: {  	[hbm4b:s2+s4] =	stream.linear.scatter [tilespmem:s17], [sflag:$0x5], $0x8000, $0x38;
	[tilespmem:$0x19500] =	vst v63  }
0x3c: {  	_ =	swait.ge [sflag:s16], $0x8000  }
0x3d: {  	[sflag:s16] =	ssyncset.done $0x0  }
0x3e: {  	[sflag:s16] =	ssyncadd.s32 $0xFFFF8000  }
0x3f: {  	[bflag:$0x0] =	sbarrier.arrive $0xFFFF;
	s30 =	simm.s32 $0x0;
	s0 =	simm.s32 $0xB000  }
0x40: {  	[tilespmem:s0], [sflag:$0x1] =	stream.linear.gather [hbm4b:s8+s30], $0xC80, $0x38;
	[tilespmem:$0x19500] =	vst v63  }
0x41: {  	_ =	swait.ge [sflag:s19], $0xC80  }
0x42: {  	[sflag:s19] =	ssyncset.done $0x0  }
0x43: {  	s31 =	sadd.s32 s10, s3;
	[sflag:s19] =	ssyncadd.s32 $0xFFFFF380  }
0x44: {  	[tilespmem:s21], [sflag:$0x3] =	stream.indirect.gather [hbm4b:s31+s20], $0x4, s0, s20, $0xb8;
	[tilespmem:$0x19500] =	vst v63  }
0x45: {  	s18 =	rddreg [dreg:$0x4];
	s0 =	simm.s32 $0x0  }
0x46: {  	[tilespmem:s22], [sflag:$0x2] =	stream.linear.gather [hbm4b:s18+s30], $0xC80, $0x38;
	[tilespmem:$0x19500] =	vst v63  }
.LBB2_6:
0x47: {  	_ =	swait.ge [sflag:s23], $0x3200  }
0x48: {  	[sflag:s23] =	ssyncset.done $0x0  }
0x49: {  	v3 =	vmov s30;
	[sflag:s23] =	ssyncadd.s32 $0xFFFFCE00  }
0x4a: {  	s11 =	sshll.u32 s0, $0x5;
	p0 =	seq.s32 s0, $0xF;
	v3 =	vshll.u32 v3, $0x3;
	_ =	swait.ge [sflag:s24], $0xC80  }
0x4b: {  	s2 =	sadd.s32 @!p0 s11, s12;
	v3 =	vadd.s32 v1, v3;
	[sflag:s24] =	ssyncset.done $0x0  }
0x4c: {  	s15 =	simm.s32 $0x1;
	s2 =	smul.u32 @!p0 $0x19, s2;
	v4 =	vor.u32 $0x1, v3;
	[sflag:s24] =	ssyncadd.s32 $0xFFFFF380  }
0x4d: {  	v7 =	vor.u32 $0x2, v3;
	[tilespmem:s25], [sflag:$0x4] =	stream.indirect.gather [hbm4b:s31+s20], $0x4, s22, s20, $0xb8;
	[tilespmem:$0x19500] =	vst v63  }
0x4e: {  	s18 =	simm.s32 @!p0 $0x0;
	s14 =	simm.s32 @!p0 $0xB000;
	v5 =	vmov s15;
	s2 =	sadd.s32 @!p0 s1, s2  }
0x4f: {  	v6 =	vshll.u32 v5, $0x3;
	[tilespmem:s14], [sflag:$0x1] =	stream.linear.gather @!p0 [hbm4b:s2+s18], $0xC80, $0x38;
	[tilespmem:$0x19500] =	vst v63  }
0x50: {  	v8 =	vadd.s32 v1, v6;
	v5 =	vld.idx.msk [tilespmem:v3+s21+$0x0], $0xffff  }
0x51: {  	v9 =	vor.u32 $0x1, v8;
	v6 =	vld.idx.msk [tilespmem:v4+s21+$0x0], $0xffff  }
0x52: {  	v10 =	vor.u32 $0x2, v8;
	v7 =	vld.idx.msk [tilespmem:v7+s21+$0x0], $0xffff  }
0x53: {  	s2 =	sor.u32 $0x10, s11;
	s18 =	simm.s32 $0x2;
	v3 =	vimm.f32 $0.0e+00;
	v4 =	vimm.f32 $0.0e+00  }
.LBB2_7:
0x54: {  	v14 =	vmov s18;
	p1 =	sne.s32 s18, $0xC7;
	s18 =	sadd.s32 $0x1, s18  }
.Ltmp2:
0x55: {  	v12 =	vadd.f32 $4.000000060e-01, v5;
	v13 =	vshll.u32 v14, $0x3;
	v5 =	vld.idx.msk [tilespmem:v8+s21+$0x0], $0xffff;
	(pc) =	sbr.rel @p1 .LBB2_7-.Ltmp2, $4  }
0x56: {  	v11 =	vmov v6;
	v8 =	vadd.s32 v1, v13;
	v6 =	vld.idx.msk [tilespmem:v9+s21+$0x0], $0xffff  }
0x57: {  	v11 =	vmul.f32 v11, v12;
	v12 =	vmul.f32 v7, v12;
	v9 =	vor.u32 $0x1, v8;
	v7 =	vld.idx.msk [tilespmem:v10+s21+$0x0], $0xffff  }
0x58: {  	v10 =	vor.u32 $0x2, v8  }
0x59: {  	v3 =	vadd.f32 v11, v3;
	v4 =	vadd.f32 v12, v4  }
0x5a: {  	_ =	sdelay $0x3  }
0x5b: {  	v8 =	vld.idx.msk [tilespmem:v8+s21+$0x0], $0xffff;
	_ =	sdelay $0x1  }
0x5c: {  	v9 =	vld.idx.msk [tilespmem:v9+s21+$0x0], $0xffff  }
0x5d: {  	v5 =	vadd.f32 $4.000000060e-01, v5;
	v10 =	vld.idx.msk [tilespmem:v10+s21+$0x0], $0xffff;
	_ =	sdelay $0x1  }
0x5e: {  	v6 =	vmul.f32 v6, v5;
	v8 =	vadd.f32 $4.000000060e-01, v8  }
0x5f: {  	v5 =	vmul.f32 v7, v5;
	v7 =	vmov s11  }
0x60: {  	v7 =	vshll.u32 v7, $0x1;
	v3 =	vadd.f32 v6, v3;
	v6 =	vmul.f32 v9, v8  }
0x61: {  	v4 =	vadd.f32 v5, v4;
	v7 =	vor.u32 v2, v7;
	v5 =	vmul.f32 v10, v8  }
0x62: {  	v3 =	vadd.f32 v6, v3;
	v6 =	vor.u32 $0x1, v7  }
0x63: {  	v4 =	vadd.f32 v5, v4  }
0x64: {  	v3 =	vmul.f32 $1.000000010e-01, v3  }
0x65: {  	v4 =	vmul.f32 $1.000000010e-01, v4  }
0x66: {  	[tilespmem:v7+s26+$0x0] =	vst.idx.msk $0xffff, v3  }
0x67: {  	[tilespmem:v6+s26+$0x0] =	vst.idx.msk $0xffff, v4  }
0x68: {  	_ =	swait.ge [sflag:s28], $0x3200  }
0x69: {  	[sflag:s28] =	ssyncset.done $0x0  }
0x6a: {  	s14 =	simm.s32 @!p0 $0x1;
	s15 =	simm.s32 $0x0;
	[sflag:s28] =	ssyncadd.s32 $0xFFFFCE00  }
0x6b: {  	s11 =	sadd.s32 @!p0 s11, s13;
	v3 =	vmov s15;
	_ =	swait.ge @!p0 [sflag:s14], $0xC80  }
0x6c: {  	s18 =	simm.s32 @!p0 $0xC900;
	s11 =	smul.u32 @!p0 $0x19, s11;
	v3 =	vshll.u32 v3, $0x3;
	[sflag:s14] =	ssyncset.done @!p0 $0x0  }
0x6d: {  	s15 =	simm.s32 @!p0 $0xB000;
	v3 =	vadd.s32 v1, v3;
	[sflag:s14] =	ssyncadd.s32 @!p0 $0xFFFFF380;
	s14 =	simm.s32 @!p0 $0xC80  }
0x6e: {  	v4 =	vor.u32 $0x1, v3;
	[tilespmem:s18], [sflag:$0x3] =	stream.indirect.gather @!p0 [hbm4b:s31+s14], $0x4, s15, s14, $0xb8;
	[tilespmem:$0x19500] =	vst v63  }
0x6f: {  	v7 =	vor.u32 $0x2, v3;
	s18 =	simm.s32 $0x1  }
0x70: {  	s11 =	sadd.s32 @!p0 s1, s11;
	s14 =	simm.s32 @!p0 $0x0;
	s15 =	simm.s32 @!p0 $0xBC80;
	v5 =	vmov s18  }
0x71: {  	[tilespmem:s15], [sflag:$0x2] =	stream.linear.gather @!p0 [hbm4b:s11+s14], $0xC80, $0x38;
	v6 =	vshll.u32 v5, $0x3;
	[tilespmem:$0x19500] =	vst v63  }
0x72: {  	v5 =	vld.idx.msk [tilespmem:v3+s25+$0x0], $0xffff;
	v8 =	vadd.s32 v1, v6  }
0x73: {  	v6 =	vld.idx.msk [tilespmem:v4+s25+$0x0], $0xffff;
	v9 =	vor.u32 $0x1, v8  }
0x74: {  	v7 =	vld.idx.msk [tilespmem:v7+s25+$0x0], $0xffff;
	v10 =	vor.u32 $0x2, v8  }
0x75: {  	s11 =	simm.s32 $0x2;
	v3 =	vimm.f32 $0.0e+00;
	v4 =	vimm.f32 $0.0e+00  }
.LBB2_9:
0x76: {  	v14 =	vmov s11;
	p0 =	sne.s32 s11, $0xC7;
	s11 =	sadd.s32 $0x1, s11  }
.Ltmp3:
0x77: {  	v12 =	vadd.f32 $4.000000060e-01, v5;
	v13 =	vshll.u32 v14, $0x3;
	v5 =	vld.idx.msk [tilespmem:v8+s25+$0x0], $0xffff;
	(pc) =	sbr.rel @p0 .LBB2_9-.Ltmp3, $4  }
0x78: {  	v11 =	vmov v6;
	v8 =	vadd.s32 v1, v13;
	v6 =	vld.idx.msk [tilespmem:v9+s25+$0x0], $0xffff  }
0x79: {  	v11 =	vmul.f32 v11, v12;
	v12 =	vmul.f32 v7, v12;
	v9 =	vor.u32 $0x1, v8;
	v7 =	vld.idx.msk [tilespmem:v10+s25+$0x0], $0xffff  }
0x7a: {  	v10 =	vor.u32 $0x2, v8  }
0x7b: {  	v3 =	vadd.f32 v11, v3;
	v4 =	vadd.f32 v12, v4  }
0x7c: {  	_ =	sdelay $0x3  }
0x7d: {  	v8 =	vld.idx.msk [tilespmem:v8+s25+$0x0], $0xffff;
	_ =	sdelay $0x1  }
0x7e: {  	v9 =	vld.idx.msk [tilespmem:v9+s25+$0x0], $0xffff  }
0x7f: {  	v5 =	vadd.f32 $4.000000060e-01, v5;
	v10 =	vld.idx.msk [tilespmem:v10+s25+$0x0], $0xffff;
	_ =	sdelay $0x1  }
0x80: {  	v6 =	vmul.f32 v6, v5;
	v8 =	vadd.f32 $4.000000060e-01, v8  }
0x81: {  	v60 =	vmov s2;
	v5 =	vmul.f32 v7, v5  }
0x82: {  	v7 =	vshll.u32 v60, $0x1;
	v3 =	vadd.f32 v6, v3;
	v61 =	vmul.f32 v9, v8  }
0x83: {  	s0 =	sadd.s32 $0x1, s0;
	v7 =	vor.u32 v2, v7;
	v4 =	vadd.f32 v5, v4;
	v62 =	vmul.f32 v10, v8  }
0x84: {  	p0 =	sne.s32 s0, $0x10;
	v63 =	vor.u32 $0x1, v7;
	v3 =	vadd.f32 v61, v3  }
.Ltmp4:
0x85: {  	v4 =	vadd.f32 v62, v4;
	(pc) =	sbr.rel @p0 .LBB2_6-.Ltmp4, $4  }
0x86: {  	v3 =	vmul.f32 $1.000000010e-01, v3  }
0x87: {  	v4 =	vmul.f32 $1.000000010e-01, v4  }
0x88: {  	[tilespmem:v7+s26+$0x0] =	vst.idx.msk $0xffff, v3  }
0x89: {  	[tilespmem:v63+s26+$0x0] =	vst.idx.msk $0xffff, v4  }
0x8a: {  	s0 =	rddreg [dreg:$0x5]  }
0x8b: {  	[hbm4b:s0+s4] =	stream.linear.scatter [tilespmem:s26], [sflag:$0x5], $0x400, $0x38;
	[tilespmem:$0x19500] =	vst v63  }
0x8c: {  	_ =	swait.ge [sflag:s16], $0x400  }
0x8d: {  	s29 =	sadd.s32 $0x1, s29;
	s31 =	rddreg [dreg:$0x6]  }
0x8e: {  	p0 =	sne.s32 s29, s31  }
.Ltmp5:
0x8f: {  	_ = 	snop;
	(pc) =	sbr.rel @p0 .LBB2_1-.Ltmp5, $3  }
0x90: {  	_ =	sdelay $0x1  }
0x91: {  	[sflag:s16] =	ssyncset.done $0x0  }
0x92: {  	[sflag:s16] =	ssyncadd.s32 $0xFFFFFC00  }
0x93: {  	_ =	sfence.sel $0x180000  }
0x94: {  	[bflag:$0x0] =	sbarrier.arrive $0xFFFF  }
0x95: {  	_ =	strace $0x90000047  }
0x96: {  	s0 =	stileid.u32;
	[bflag:$0x2] =	sbarrier.arrive $0xFFFF  }
0x97: {  	p0 =	sne.s32 s0, $0x0;
	s0 =	rddreg [dreg:$0x3]  }
0x98: {  	s0 =	sadd.s32 @!p0 $0x100000, s0  }
0x99: {  	[sflag:s0] =	ssyncadd.tile.s32 @!p0 $0x1;
	_ =	shalt  }
.Lfunc_end2:
_tile_overlayer_lowered:
.L_overlay_start_2:
0x9a: {  	(tag) =	ssettag $0x2  }
0x9b: {  	s0 =	rddreg [dreg:$0x0];
	s2 =	stileid.u32  }
0x9c: {  	s1 =	rddreg [dreg:$0x1];
	p0 =	sne.s32 s2, $0x0  }
0x9d: {  	s3 =	rddreg [dreg:$0x2];
	[bflag:$0x3] =	sbarrier.arrive $0xFFFF;
	s2 =	simm.s32 @!p0 $0x1C05  }
0x9e: {  	[timem:s3], [sflag:s2] =	dma.local @!p0 [hbm:s0], s1  }
0x9f: {  	s0 =	simm.s32 @!p0 $0x5  }
0xa0: {  	_ =	swait.ge @!p0 [sflag:s0], s1  }
0xa1: {  	s1 =	ssub.s32 @!p0 $0x0, s1;
	[sflag:s0] =	ssyncset.done @!p0 $0x0  }
0xa2: {  	[sflag:s0] =	ssyncadd.s32 @!p0 s1  }
0xa3: {  	[bflag:$0x3] =	sbarrier.arrive $0xFFFF  }
0xa4: {  	_ =	shalt  }

</sc_bundles>
